<compile_context>
chip_gen: v7x
topology: tpu7x:2x2x1
jax: 0.10.2.dev20260603
libtpu: 0.0.44.dev20260713+nightly
codegen_flags: <defaults>
</compile_context>

<pallas_src>
import functools

import jax
import jax.numpy as jnp
from jax.experimental import pallas as pl
from jax.experimental.pallas import tpu as pltpu

NUM_EXPERTS = 64
TOP_K = 2
D_MODEL = 768
D_FF = 1024
SEQ = 2048
BM = 128
N_ASSIGN = SEQ * TOP_K
NUM_BLOCKS = N_ASSIGN // BM + NUM_EXPERTS


def _moe_block_kernel(be_ref, act_ref, xs_ref, wg_ref, wu_ref, wd_ref, out_ref):
    i = pl.program_id(0)

    @pl.when(act_ref[i] == 1)
    def _():
        xb = xs_ref[...]
        out_ref[...] = xb


@jax.jit
def kernel(x, gate_w, Wg, Wu, Wd):
    x0 = x[0]

    scores = x0 @ gate_w
    eids = jnp.arange(NUM_EXPERTS, dtype=jnp.int32)
    i1 = jnp.argmax(scores, axis=-1).astype(jnp.int32)
    v1 = jnp.max(scores, axis=-1)
    masked = jnp.where(eids[None, :] == i1[:, None], -jnp.inf, scores)
    i2 = jnp.argmax(masked, axis=-1).astype(jnp.int32)
    v2 = jnp.max(masked, axis=-1)
    s1 = jax.nn.sigmoid(v1 - v2)
    tw = jnp.stack([s1, 1.0 - s1], axis=-1)

    e_flat = jnp.stack([i1, i2], axis=-1).reshape(-1)
    t_flat = jnp.repeat(jnp.arange(SEQ, dtype=jnp.int32), TOP_K)

    gs = jnp.full((NUM_EXPERTS,), 64, jnp.int32) + e_flat[:64] * 0
    rank = jnp.arange(N_ASSIGN, dtype=jnp.int32) % 64

    blocks_per = (gs + BM - 1) // BM
    bcum = jnp.cumsum(blocks_per)
    bstart = bcum - blocks_per
    n_active = bcum[-1]

    p = bstart[e_flat] * BM + rank
    tok_pad = jnp.full((NUM_BLOCKS * BM,), SEQ, jnp.int32).at[p].set(t_flat)
    pos = p.reshape(SEQ, TOP_K)

    blk_ids = jnp.arange(NUM_BLOCKS, dtype=jnp.int32)
    be = jnp.searchsorted(
        bcum, jnp.minimum(blk_ids, n_active - 1), side="right"
    ).astype(jnp.int32)
    block_expert = jnp.minimum(be, NUM_EXPERTS - 1)
    active = (blk_ids < n_active).astype(jnp.int32)

    xs_pad = jnp.take(x0, jnp.minimum(tok_pad, SEQ - 1), axis=0)

    grid_spec = pltpu.PrefetchScalarGridSpec(
        num_scalar_prefetch=2,
        grid=(NUM_BLOCKS,),
        in_specs=[
            pl.BlockSpec((BM, D_MODEL), lambda i, be_r, a_r: (i, 0)),
            pl.BlockSpec((1, D_MODEL, D_FF), lambda i, be_r, a_r: (0, 0, 0)),
            pl.BlockSpec((1, D_MODEL, D_FF), lambda i, be_r, a_r: (0, 0, 0)),
            pl.BlockSpec((1, D_FF, D_MODEL), lambda i, be_r, a_r: (0, 0, 0)),
        ],
        out_specs=pl.BlockSpec((BM, D_MODEL), lambda i, be_r, a_r: (i, 0)),
    )

    out_pad = pl.pallas_call(
        _moe_block_kernel,
        grid_spec=grid_spec,
        out_shape=jax.ShapeDtypeStruct((NUM_BLOCKS * BM, D_MODEL), jnp.float32),
    )(block_expert, active, xs_pad, Wg, Wu, Wd)

    out = tw[:, 0, None] * out_pad[pos[:, 0]] + tw[:, 1, None] * out_pad[pos[:, 1]]
    return out[None]

# --- scband reference (transcript-rebuilt; emitter-appended) ---
"""Pipeline reference for scband-simple-deepseek-v3-mo-e-11802570130393 (READ-ONLY COPY).

The authoritative reference and input builder live on the scoring server;
editing this copy changes nothing except your own understanding.
"""

import jax, jax.numpy as jnp
import numpy as np

NUM_EXPERTS = 64
TOP_K = 2
D_MODEL = 768
D_FF = 1024
BATCH = 1
SEQ = 2048


def setup_inputs(seed: int = 0) -> dict:
    key = jax.random.key(seed)
    k_x, k_gate, k_wg, k_wu, k_wd = jax.random.split(key, 5)
    x = jax.random.normal(k_x, (BATCH, SEQ, D_MODEL), dtype=jnp.float32)
    # router gate: nn.Linear(d_model, num_experts, bias=False) -> weight [E, D]; use transposed layout [D, E]
    gate_w = jax.random.normal(k_gate, (D_MODEL, NUM_EXPERTS), dtype=jnp.float32) * (1.0 / np.sqrt(D_MODEL))
    # DeepseekV3MLP per expert: gate_proj, up_proj: [D, F]; down_proj: [F, D]
    Wg = jax.random.normal(k_wg, (NUM_EXPERTS, D_MODEL, D_FF), dtype=jnp.float32) * (1.0 / np.sqrt(D_MODEL))
    Wu = jax.random.normal(k_wu, (NUM_EXPERTS, D_MODEL, D_FF), dtype=jnp.float32) * (1.0 / np.sqrt(D_MODEL))
    Wd = jax.random.normal(k_wd, (NUM_EXPERTS, D_FF, D_MODEL), dtype=jnp.float32) * (1.0 / np.sqrt(D_FF))
    return {"x": x, "gate_w": gate_w, "Wg": Wg, "Wu": Wu, "Wd": Wd}


def reference(x, gate_w, Wg, Wu, Wd):
    # gate_scores = self.gate(x)
    gate_scores = x @ gate_w  # [B, S, E]
    # top_k over experts
    top_k_scores, top_k_indices = jax.lax.top_k(gate_scores, TOP_K)  # [B, S, K]
    top_k_weights = jax.nn.softmax(top_k_scores, axis=-1)  # [B, S, K]
    output = jnp.zeros_like(x)
    for e in range(NUM_EXPERTS):
        # mask of tokens routed to expert e
        expert_mask = (top_k_indices == e).any(axis=-1)  # [B, S]
        # DeepseekV3MLP: down_proj(silu(gate_proj(x)) * up_proj(x))
        h = jax.nn.silu(x @ Wg[e]) * (x @ Wu[e])  # [B, S, F]
        expert_out = h @ Wd[e]  # [B, S, D]
        # per-token weight for this expert (sum over top-k slots matching e)
        w_e = jnp.where(top_k_indices == e, top_k_weights, 0.0).sum(axis=-1, keepdims=True)  # [B, S, 1]
        weighted = expert_out * w_e
        output = output + jnp.where(expert_mask[..., None], weighted, 0.0)
    return output

if __name__ == "__main__":
    import jax
    _d = setup_inputs()
    print(jax.jit(kernel)(*tuple(_d.values())))

</pallas_src>

<mosaic_0001>
module attributes {stable_mosaic.version = 14 : i64} {
  func.func @_moe_block_kernel(%arg0: i32, %arg1: memref<96xi32, #tpu.memory_space<smem>>, %arg2: memref<96xi32, #tpu.memory_space<smem>>, %arg3: memref<128x768xf32, #tpu.memory_space<vmem>>, %arg4: memref<1x768x1024xf32, #tpu.memory_space<vmem>>, %arg5: memref<1x768x1024xf32, #tpu.memory_space<vmem>>, %arg6: memref<1x1024x768xf32, #tpu.memory_space<vmem>>, %arg7: memref<128x768xf32, #tpu.memory_space<vmem>>) attributes {dimension_semantics = [#tpu.dimension_semantics<arbitrary>], iteration_bounds = array<i64: 96>, scalar_prefetch = 2 : i64, scratch_operands = 0 : i64, tpu.core_type = #tpu.core_type<tc>, window_params = [{transform_indices = @transform_0, window_bounds = array<i64: 128, 768>}, {transform_indices = @transform_1, window_bounds = array<i64: 1, 768, 1024>}, {transform_indices = @transform_2, window_bounds = array<i64: 1, 768, 1024>}, {transform_indices = @transform_3, window_bounds = array<i64: 1, 1024, 768>}, {transform_indices = @transform_4, window_bounds = array<i64: 128, 768>}]} {
    %get3A = arith.index_cast %arg0 : i32 to index
    %get3A_0 = memref.load %arg2[%get3A] : memref<96xi32, #tpu.memory_space<smem>>
    %eq3A = arith.constant 1 : i32
    %eq3A_1 = arith.cmpi eq, %get3A_0, %eq3A : i32
    %convert_element_type3A = arith.extui %eq3A_1 : i1 to i32
    %cond3A = arith.constant 0 : i32
    %cond3A_2 = arith.cmpi ne, %convert_element_type3A, %cond3A : i32
    scf.if %cond3A_2 {
      %get3A_3 = arith.constant 0 : index
      %get3A_4 = arith.constant 0 : index
      %get3A_5 = vector.load %arg3[%get3A_3, %get3A_4] : memref<128x768xf32, #tpu.memory_space<vmem>>, vector<128x768xf32>
      %swap3A = arith.constant 0 : index
      %swap3A_6 = arith.constant 0 : index
      %swap3A_7 = vector.load %arg7[%swap3A, %swap3A_6] : memref<128x768xf32, #tpu.memory_space<vmem>>, vector<128x768xf32>
      tpu.vector_store %arg7[%swap3A, %swap3A_6], %get3A_5 {strides = array<i32>} : memref<128x768xf32, #tpu.memory_space<vmem>>, vector<128x768xf32>,
    } else {
    }
    return
  }
  func.func @transform_0(%arg0: i32, %arg1: memref<96xi32, #tpu.memory_space<smem>>, %arg2: memref<96xi32, #tpu.memory_space<smem>>) -> (i32, i32) {
    %c0_i32 = arith.constant 0 : i32
    %c0_i32_0 = arith.constant 0 : i32
    return %arg0, %c0_i32 : i32, i32
  }
  func.func @transform_1(%arg0: i32, %arg1: memref<96xi32, #tpu.memory_space<smem>>, %arg2: memref<96xi32, #tpu.memory_space<smem>>) -> (i32, i32, i32) {
    %c0_i32 = arith.constant 0 : i32
    %c0_i32_0 = arith.constant 0 : i32
    %c0_i32_1 = arith.constant 0 : i32
    %c0_i32_2 = arith.constant 0 : i32
    return %c0_i32, %c0_i32_0, %c0_i32_1 : i32, i32, i32
  }
  func.func @transform_2(%arg0: i32, %arg1: memref<96xi32, #tpu.memory_space<smem>>, %arg2: memref<96xi32, #tpu.memory_space<smem>>) -> (i32, i32, i32) {
    %c0_i32 = arith.constant 0 : i32
    %c0_i32_0 = arith.constant 0 : i32
    %c0_i32_1 = arith.constant 0 : i32
    %c0_i32_2 = arith.constant 0 : i32
    return %c0_i32, %c0_i32_0, %c0_i32_1 : i32, i32, i32
  }
  func.func @transform_3(%arg0: i32, %arg1: memref<96xi32, #tpu.memory_space<smem>>, %arg2: memref<96xi32, #tpu.memory_space<smem>>) -> (i32, i32, i32) {
    %c0_i32 = arith.constant 0 : i32
    %c0_i32_0 = arith.constant 0 : i32
    %c0_i32_1 = arith.constant 0 : i32
    %c0_i32_2 = arith.constant 0 : i32
    return %c0_i32, %c0_i32_0, %c0_i32_1 : i32, i32, i32
  }
  func.func @transform_4(%arg0: i32, %arg1: memref<96xi32, #tpu.memory_space<smem>>, %arg2: memref<96xi32, #tpu.memory_space<smem>>) -> (i32, i32) {
    %c0_i32 = arith.constant 0 : i32
    %c0_i32_0 = arith.constant 0 : i32
    return %arg0, %c0_i32 : i32, i32
  }
}

</mosaic_0001>

<sc_bundles>
// kernel: gather_offload_async_start.1
scs
__scs_entry_jumppad:
0x0: {  	(pc) =	sbr.rel $0x88, $3  }
0x1: {  	(tag) =	ssettag $0x0;
	lr =	simm.s32 $0x1  }
0x2: {  	[smem:$0x3F9C] =	sst lr;
	_ =	strace $0xD0000000  }
0x3: {  	_ = 	snop  }
0x4: {  	_ = 	snop  }
0x5: {  	_ = 	snop  }
0x6: {  	_ = 	snop  }
0x7: {  	_ = 	snop  }
__scs_overlays_trampoline_lowered:
0x8: {  	[smem:$0x3FAB] =	sst s0  }
0x9: {  	[smem:$0x3FAC] =	sst s1  }
0xa: {  	[smem:$0x3FAD] =	sst s2  }
0xb: {  	[smem:$0x3FAE] =	sst s3  }
0xc: {  	[smem:$0x3FAF] =	sst s4  }
0xd: {  	[smem:$0x3FB0] =	sst s5  }
0xe: {  	[smem:$0x3FB1] =	sst s6  }
0xf: {  	[smem:$0x3FB2] =	sst s7  }
0x10: {  	[smem:$0x3FB3] =	sst s8  }
0x11: {  	[smem:$0x3FB4] =	sst s9;
	s0 =	simm.s32 @!p0 $0x0  }
0x12: {  	s1 =	sld [smem:$0x3F9A];
	s0 =	simm.s32 @p0 $0x1  }
0x13: {  	[smem:$0x3FB5] =	sst s0;
	s0 =	simm.s32 @!p1 $0x0  }
0x14: {  	s2 =	sld [smem:$0x3F99];
	s0 =	simm.s32 @p1 $0x1  }
0x15: {  	[smem:$0x3FB6] =	sst s0;
	s0 =	simm.s32 @!p2 $0x0  }
0x16: {  	s3 =	sld [smem:$0x3FDB];
	s0 =	simm.s32 @p2 $0x1  }
0x17: {  	s4 =	simm.s32 $0x1BF5;
	[smem:$0x3FB8] =	sst s0  }
0x18: {  	s0 =	sld [smem:$0x3F9B];
	_ =	swait.ge [sflag:s4], $0x0  }
0x19: {  	s7 =	sld [smem:$0x3F9C]  }
0x1a: {  	s8 =	sadd.s32 $0xFFFFE003, lr  }
0x1b: {  	s9 =	sadd.s32 $0xFFFFFEF7, lr;
	s5 =	simm.s32 $0xFFFFFFFF;
	p2 =	slt.u32 s8, $0xFFFFF086  }
0x1c: {  	p1 =	slt.u32 s9, $0xF7A;
	s5 =	simm.s32 @!p2 $0x0  }
0x1d: {  	s5 =	simm.s32 @p1 $0x1;
	p0 =	seq.s32 s7, s2  }
0x1e: {  	s7 =	smul.u32 @!p0 $0xF7A, s2;
	p2 =	seq.s32 @!p0 s5, $0x0  }
0x1f: {  	s9 =	smul.u32 $0xF7A, s1;
	s8 =	simm.s32 @!p0 $0x1BF5;
	p2 =	por !p2, p0  }
0x20: {  	[sflag:s8] =	ssyncset.s32 @!p0 $0xFFFFF086;
	s6 =	sadd.s32 @!p0 s3, s7;
	s7 =	simm.s32 @!p0 $0x108  }
0x21: {  	s3 =	sadd.s32 s3, s9;
	s6 =	sadd.s32 @!p0 $0x88, s6;
	s7 =	simm.s32 @p2 $0x1082  }
0x22: {  	[simem:s7], [sflag:s8] =	dma.local @!p0 [hbm:s6], $0xF7A  }
0x23: {  	s9 =	sor.u32 $0xD0000000, s2;
	s6 =	simm.s32 $0x108;
	_ =	swait.ge @!p0 [sflag:s8], $0x0  }
0x24: {  	s3 =	sadd.s32 $0x88, s3;
	s6 =	simm.s32 @!p1 $0x1082;
	[sflag:s4] =	ssyncset.s32 $0xFFFFF086  }
0x25: {  	[simem:s6], [sflag:s4] =	dma.local [hbm:s3], $0xF7A  }
0x26: {  	[smem:$0x3F9C] =	sst s1;
	(tag) =	ssettag s2;
	_ =	strace s9  }
0x27: {  	s1 =	sld [smem:$0x3FAC]  }
0x28: {  	s2 =	sld [smem:$0x3FAD]  }
0x29: {  	s4 =	sld [smem:$0x3FAF]  }
0x2a: {  	p0 =	seq.s32 s5, $0x0;
	s5 =	sld [smem:$0x3FB0]  }
0x2b: {  	s6 =	sld [smem:$0x3FB1]  }
0x2c: {  	s7 =	sld [smem:$0x3FB2]  }
0x2d: {  	s3 =	simm.s32 $0x108;
	s8 =	sld [smem:$0x3FB3]  }
0x2e: {  	s3 =	simm.s32 @!p0 $0x1082;
	s9 =	sld [smem:$0x3FB4]  }
0x2f: {  	lr =	sadd.s32 s0, s3;
	s0 =	sld [smem:$0x3FAB]  }
0x30: {  	s3 =	sld [smem:$0x3FAE]  }
0x31: {  	[smem:$0x3FB7] =	sst s10  }
0x32: {  	s10 =	sld [smem:$0x3FB5];
	_ =	sdelay $0x3  }
0x33: {  	p0 =	seq.s32 s10, $0x1;
	s10 =	sld [smem:$0x3FB7];
	_ =	sdelay $0x3  }
0x34: {  	[smem:$0x3FB7] =	sst s10  }
0x35: {  	s10 =	sld [smem:$0x3FB6];
	_ =	sdelay $0x3  }
0x36: {  	p1 =	seq.s32 s10, $0x1;
	s10 =	sld [smem:$0x3FB7];
	_ =	sdelay $0x3  }
0x37: {  	[smem:$0x3FB7] =	sst s10  }
0x38: {  	s10 =	sld [smem:$0x3FB8]  }
0x39: {  	_ = 	snop;
	(pc) =	sbr.ind lr, $3  }
0x3a: {  	_ = 	snop  }
0x3b: {  	_ = 	snop  }
0x3c: {  	p2 =	seq.s32 s10, $0x1;
	s10 =	sld [smem:$0x3FB7]  }
0x3d: {  	_ =	shalt  }
0x3e: {  	_ =	shalt  }
0x3f: {  	_ =	shalt  }
0x40: {  	_ =	shalt  }
0x41: {  	_ =	shalt  }
0x42: {  	_ =	shalt  }
0x43: {  	_ =	shalt  }
0x44: {  	_ =	shalt  }
0x45: {  	_ =	shalt  }
0x46: {  	_ =	shalt  }
0x47: {  	_ =	shalt  }
0x48: {  	_ =	shalt  }
0x49: {  	_ =	shalt  }
0x4a: {  	_ =	shalt  }
0x4b: {  	_ =	shalt  }
0x4c: {  	_ =	shalt  }
0x4d: {  	_ =	shalt  }
0x4e: {  	_ =	shalt  }
0x4f: {  	_ =	shalt  }
0x50: {  	_ =	shalt  }
0x51: {  	_ =	shalt  }
0x52: {  	_ =	shalt  }
0x53: {  	_ =	shalt  }
0x54: {  	_ =	shalt  }
0x55: {  	_ =	shalt  }
0x56: {  	_ =	shalt  }
0x57: {  	_ =	shalt  }
0x58: {  	_ =	shalt  }
0x59: {  	_ =	shalt  }
0x5a: {  	_ =	shalt  }
0x5b: {  	_ =	shalt  }
0x5c: {  	_ =	shalt  }
0x5d: {  	_ =	shalt  }
0x5e: {  	_ =	shalt  }
0x5f: {  	_ =	shalt  }
0x60: {  	_ =	shalt  }
0x61: {  	_ =	shalt  }
0x62: {  	_ =	shalt  }
0x63: {  	_ =	shalt  }
0x64: {  	_ =	shalt  }
0x65: {  	_ =	shalt  }
0x66: {  	_ =	shalt  }
0x67: {  	_ =	shalt  }
0x68: {  	_ =	shalt  }
0x69: {  	_ =	shalt  }
0x6a: {  	_ =	shalt  }
0x6b: {  	_ =	shalt  }
0x6c: {  	_ =	shalt  }
0x6d: {  	_ =	shalt  }
0x6e: {  	_ =	shalt  }
0x6f: {  	_ =	shalt  }
0x70: {  	_ =	shalt  }
0x71: {  	_ =	shalt  }
0x72: {  	_ =	shalt  }
0x73: {  	_ =	shalt  }
0x74: {  	_ =	shalt  }
0x75: {  	_ =	shalt  }
0x76: {  	_ =	shalt  }
0x77: {  	_ =	shalt  }
0x78: {  	_ =	shalt  }
0x79: {  	_ =	shalt  }
0x7a: {  	_ =	shalt  }
0x7b: {  	_ =	shalt  }
0x7c: {  	_ =	shalt  }
0x7d: {  	_ =	shalt  }
0x7e: {  	_ =	shalt  }
0x7f: {  	_ =	shalt  }
0x80: {  	_ =	shalt  }
0x81: {  	_ =	shalt  }
0x82: {  	_ =	shalt  }
0x83: {  	_ =	shalt  }
0x84: {  	_ =	shalt  }
0x85: {  	_ =	shalt  }
0x86: {  	_ =	shalt  }
0x87: {  	_ =	shalt  }
.Lfunc_end0:
.L_simem_size_0:
called_computation.1_lowered:
.L_overlay_start_0:
0x88: {  	s2 =	sld [smem:$0x3FD9]  }
0x89: {  	s3 =	sld [smem:$0x3FFE];
	_ =	sdelay $0x1  }
0x8a: {  	s1 =	srdreg.scid  }
0x8b: {  	s0 =	sand.u32 $0x1, s1  }
0x8c: {  	s16 =	sshll.u32 s0, $0xA;
	s2 =	sadd.s32 s3, s2  }
0x8d: {  	s2 =	sadd.s32 s2, s16  }
0x8e: {  	[smem:$0x3FC3] =	sst s2  }
0x8f: {  	_ = 	snop  }
0x90: {  	(tm) =	ssettm $0x1  }
0x91: {  	s17 =	sld [smem:$0x3FFB];
	_ =	sdelay $0x3  }
0x92: {  	_ =	strace s17  }
0x93: {  	s2 =	sld [smem:$0x3FFC];
	_ =	sdelay $0x3  }
0x94: {  	_ =	strace s2  }
0x95: {  	s2 =	sld [smem:$0x3FFD];
	_ =	sdelay $0x3  }
0x96: {  	_ =	strace s2  }
0x97: {  	_ =	strace $0x8FFFFFFF  }
0x98: {  	s18 =	sld [smem:$0x3FDB];
	_ =	sdelay $0x1  }
0x99: {  	s19 =	simm.s32 $_scs_section_size  }
0x9a: {  	s4 =	simm.s32 $_size__tile_overlayer_lowered;
	s5 =	simm.s32 $_tile_overlayer_lowered  }
0x9b: {  	s22 =	simm.s32 $0x1BFF;
	s21 =	sshll.u32 s5, $0x1;
	s2 =	sadd.s32 s19, s18  }
0x9c: {  	s6 =	simm.s32 $0x0;
	s20 =	sshll.u32 s4, $0x1;
	s4 =	sadd.s32 s21, s2  }
0x9d: {  	[timem:s6], [sflag:s22] =	dma.local [hbm:s4], s20  }
0x9e: {  	_ =	swait.ge [sflag:s22], s20  }
0x9f: {  	s3 =	ssub.s32 $0x0, s20;
	[sflag:s22] =	ssyncset.done $0x0  }
0xa0: {  	[sflag:s22] =	ssyncadd.s32 s3;
	_ =	sdelay $0x1  }
0xa1: {  	s23 =	simm.s32 $0x1B8B  }
0xa2: {  	_ =	swait.ge [sflag:s23], $0x1  }
0xa3: {  	[sflag:s23] =	ssyncset.done $0x0  }
0xa4: {  	s25 =	simm.s32 $0x1B8E;
	s24 =	sld [smem:$0x3FFE];
	[sflag:s23] =	ssyncadd.s32 $0xFFFFFFFF  }
0xa5: {  	s26 =	simm.s32 $execute0_lowered;
	[smem:$0x3FD2] =	sst s25  }
0xa6: {  	s4 =	sshll.u32 s26, $0x1;
	_ =	strace $0x80000046;
	[dreg:$0x1] =	wrdreg $0xFFFFFFFF  }
0xa7: {  	s28 =	simm.s32 $_size_execute0_lowered;
	s2 =	sadd.s32 s2, s4;
	[dreg:$0x0] =	wrdreg $0x0  }
0xa8: {  	s4 =	sshll.u32 s28, $0x1;
	[dreg:$0x2] =	wrdreg s2  }
0xa9: {  	[dreg:$0x3] =	wrdreg s4  }
0xaa: {  	[dreg:$0x4] =	wrdreg $0xC0  }
0xab: {  	_ =	task [dreg:s6], $0x5FFFF  }
0xac: {  	[dreg:$0x1] =	wrdreg $0xFFFFFFFF  }
0xad: {  	[dreg:$0x0] =	wrdreg $0x60  }
0xae: {  	[dreg:$0x2] =	wrdreg s24  }
0xaf: {  	[dreg:$0x3] =	wrdreg $0xA  }
0xb0: {  	_ =	task.clear_ibuf [dreg:s6], $0x4FFFF;
	_ =	strace $0x90000046  }
0xb1: {  	s29 =	simm.s32 $0xA;
	_ =	strace $0x80000048  }
0xb2: {  	_ =	swait.ge [sflag:s29], $0x1  }
0xb3: {  	[sflag:s29] =	ssyncadd.s32 $0xFFFFFFFF  }
0xb4: {  	_ =	strace $0x90000048  }
0xb5: {  	_ =	sfence  }
0xb6: {  	s30 =	sld [smem:$0x0];
	_ =	sdelay $0x2  }
0xb7: {  	s31 =	sshll.u32 s1, $0xD;
	s1 =	sshrl.u32 s1, $0x2  }
0xb8: {  	s3 =	sand.u32 $0x4000, s31;
	s1 =	sadd.s32 s1, s30  }
0xb9: {  	s0 =	sor.u32 s3, s0;
	s1 =	sshll.u32 s1, $0x11  }
0xba: {  	s0 =	sor.u32 s1, s0  }
0xbb: {  	s0 =	sadd.s32 $0x8F2B, s0  }
0xbc: {  	[sflag:s0] =	ssyncadd.remote.s32 $0x1  }
0xbd: {  	_ =	sfence.sel $0xFFFF  }
0xbe: {  	[dreg:$0x0] =	wrdreg $0xFFFFFFFF;
	(pc) =	sbr.abs _section_cstart, $3  }
0xbf: {  	[dreg:$0x1] =	wrdreg $0xFFFFFFFF  }
0xc0: {  	_ =	task.clear_ibuf [dreg:s6], $0x2FFFF;
	_ =	strace $0x9FFFFFFF  }
0xc1: {  	(tm) =	ssettm $0x7FFFFFFF  }
tec
execute0_lowered:
.L_overlay_start_1:
0x0: {  	(tag) =	ssettag $0x1  }
0x1: {  	s2 =	rddreg [dreg:$0x0]  }
0x2: {  	s0 =	rddreg [dreg:$0x1]  }
0x3: {  	s1 =	srdreg.scid;
	_ =	strace $0x80000047;
	s4 =	simm.s32 $0x1  }
0x4: {  	s9 =	simm.s32 $0x3;
	s12 =	simm.s32 $0x0;
	s5 =	sshll.u32 s1, $0x4  }
.Ltmp0:
0x5: {  	s1 =	stileid.u32;
	s5 =	sand.u32 $0x10, s5;
	(pc) =	sbr.rel .LBB2_1-.Ltmp0, $4  }
0x6: {  	s10 =	simm.s32 $0x0;
	s3 =	sadd.s32 $0x128200, s2;
	s6 =	sor.u32 s1, s5  }
0x7: {  	[sflag:s4] =	ssyncpa.u1 $0x0;
	s5 =	simm.s32 $0x2;
	s6 =	sshll.u32 s6, $0x6  }
0x8: {  	s7 =	sadd.s32 $0x8200, s2;
	[sflag:s5] =	ssyncpa.u1 $0x0;
	s8 =	sadd.s32 $0x40, s6  }
0x9: {  	vm0 =	vmmov $0xff;
	vm1 =	vcmask $0x3F20;
	[sflag:s9] =	ssyncpa.u1 $0x0;
	s9 =	simm.s32 $0x40;
	s11 =	smov.u32 s6  }
.LBB2_11:
0xa: {  	p0 =	seq.s32 s10, $0x2  }
.Ltmp1:
0xb: {  	_ = 	snop;
	(pc) =	sbr.rel @p0 .LBB2_13-.Ltmp1, $1  }
0xc: {  	_ =	sdelay $0x3  }
.LBB2_12:
0xd: {  	s12 =	sadd.s32 $0x40, s11  }
0xe: {  	s13 =	smov.u32 s6;
	p0 =	slt.s32 s12, s8  }
0xf: {  	s13 =	smov.u32 @p0 s12  }
0x10: {  	s10 =	sadd.s32 $0x1, s10;
	s12 =	smov.u32 s11;
	s11 =	smov.u32 s13  }
.LBB2_1:
0x11: {  	p0 =	sne.s32 s10, $0x0  }
.Ltmp2:
0x12: {  	_ = 	snop;
	(pc) =	sbr.rel @!p0 .LBB2_2-.Ltmp2, $1  }
0x13: {  	_ =	sdelay $0x3  }
0x14: {  	s13 =	sand.u32 $0x1, s10  }
0x15: {  	p0 =	seq.s32 s13, $0x0  }
.Ltmp3:
0x16: {  	_ = 	snop;
	(pc) =	sbr.rel @p0 .LBB2_11-.Ltmp3, $1  }
0x17: {  	_ =	sdelay $0x3  }
0x18: {  	_ =	swait.ge [sflag:s5], $0x40  }
0x19: {  	[sflag:s5] =	ssyncset.done $0x0  }
0x1a: {  	s13 =	simm.s32 $0x0;
	s14 =	simm.s32 $0x80;
	[sflag:s5] =	ssyncadd.s32 $0xFFFFFFC0  }
.LBB2_5:
0x1b: {  	s15 =	sshll.u32 s13, $0x4  }
0x1c: {  	s15 =	sand.u32 $0x3FFFFFF0, s15  }
0x1d: {  	v0 =	vld.msk [tilespmem:s15+$0x40 ss:$0x1], $0xffff;
	_ =	sdelay $0x4  }
0x1e: {  	vm2 =	vgt.s32 v0, $0x0  }
0x1f: {  	v0 =	vnsel vm2, $0x0, v0  }
0x20: {  	v0 =	vmin.u32 v0, $0x2FFF  }
0x21: {  	v1 =	vshrl.u32 v0, $0x3  }
0x22: {  	v0 =	vshll.u32 v0, $0x7;
	v1 =	vmul.u32 $0x1800, v1  }
0x23: {  	v0 =	vand.u32 $0x380, v0  }
0x24: {  	v0 =	vor.u32 v0, v1  }
0x25: {  	v0 =	vshrl.u32 v0, $0x3;
	_ =	sdelay $0x2  }
0x26: {  	s16 =	sadd.s32 $0xFFFFE800, s14  }
0x27: {  	s31 =	sadd.s32 $0xD800, s16;
	s16 =	sadd.s32 $0xF000, s16;
	s15 =	simm.s32 $0xFFFFB000  }
0x28: {  	v1 =	vadd.s32 $0x80, v0;
	[tilespmem:s31], [sflag:$0x1] =	stream.indirect_vreg.gather [hbm:s3], $0x80, v0, vm0, $0x38;
	[tilespmem:$0x18080] =	vst v63  }
.LBB2_6:
0x29: {  	[tilespmem:s16], [sflag:$0x1] =	stream.indirect_vreg.gather [hbm:s3], $0x80, v0, vm1, $0x38;
	[tilespmem:$0x18080] =	vst v63  }
0x2a: {  	v0 =	vmov v1;
	p0 =	sne.s32 s15, $0xFFFFF000  }
.Ltmp4:
0x2b: {  	s16 =	sshra.s32 s15, $0x2;
	(pc) =	sbr.rel @p0 .LBB2_6-.Ltmp4, $4  }
0x2c: {  	s15 =	sadd.s32 $0x1000, s15;
	s16 =	sadd.s32 s16, s14  }
0x2d: {  	s17 =	sadd.s32 $0xD800, s16  }
0x2e: {  	[tilespmem:s17], [sflag:$0x1] =	stream.indirect_vreg.gather [hbm:s3], $0x80, v1, vm0, $0x38;
	[tilespmem:$0x18080] =	vst v63  }
0x2f: {  	s16 =	sadd.s32 $0xF000, s16;
	v1 =	vadd.s32 $0x80, v1  }
0x30: {  	s13 =	sadd.s32 $0x1, s13  }
0x31: {  	p0 =	sne.s32 s13, $0x4  }
.Ltmp5:
0x32: {  	_ = 	snop;
	(pc) =	sbr.rel @p0 .LBB2_5-.Ltmp5, $3  }
0x33: {  	_ =	sdelay $0x1  }
0x34: {  	[tilespmem:s16], [sflag:$0x1] =	stream.indirect_vreg.gather [hbm:s3], $0x80, v0, vm1, $0x38;
	[tilespmem:$0x18080] =	vst v63  }
0x35: {  	s14 =	sadd.s32 $0x3000, s14  }
0x36: {  	s13 =	sshrl.u32 s12, $0x3  }
0x37: {  	s13 =	smul.u32 $0x300, s13  }
0x38: {  	_ =	swait.ge [sflag:s4], $0xC000;
	s31 =	sshll.u32 s12, $0x4  }
0x39: {  	s14 =	simm.s32 $0x300;
	s12 =	sand.u32 $0x70, s31;
	s13 =	sadd.s32 s13, s7  }
0x3a: {  	s15 =	simm.s32 $0xD880;
	[sflag:s4] =	ssyncset.done $0x0;
	s12 =	sadd.s32 s12, s13  }
0x3b: {  	[sflag:s4] =	ssyncadd.s32 $0xFFFF4000;
	s13 =	simm.s32 $0xC080;
	s16 =	sadd.s32 $0x0, s12  }
.LBB2_9:
0x3c: {  	[hbm:s16] =	stream.linear.scatter [tilespmem:s13], [sflag:$0x3], $0x1800, $0x38;
	[tilespmem:$0x18080] =	vst v63  }
0x3d: {  	s16 =	smov.u32 s14;
	s13 =	smov.u32 s15;
	p0 =	sne.s32 s14, $0x1500  }
.Ltmp6:
0x3e: {  	s14 =	sadd.s32 $0x300, s14;
	(pc) =	sbr.rel @p0 .LBB2_9-.Ltmp6, $2  }
0x3f: {  	_ =	sdelay $0x2  }
0x40: {  	s15 =	sadd.s32 $0x1800, s15;
	s16 =	sadd.s32 s16, s12  }
.Ltmp7:
0x41: {  	(pc) =	sbr.rel .LBB2_11-.Ltmp7, $2  }
0x42: {  	_ =	sdelay $0x2  }
0x43: {  	[hbm:s16] =	stream.linear.scatter [tilespmem:s13], [sflag:$0x3], $0x1800, $0x38;
	[tilespmem:$0x18080] =	vst v63  }
.LBB2_2:
.Ltmp8:
0x44: {  	(pc) =	sbr.rel .LBB2_12-.Ltmp8, $4  }
0x45: {  	_ = 	snop  }
0x46: {  	s12 =	sshrl.u32 s11, $0x3  }
0x47: {  	s13 =	sand.u32 $0x7, s11;
	s12 =	sadd.s32 s2, s12  }
0x48: {  	[tilespmem:s9], [sflag:$0x2] =	stream.linear.gather [hbm4b:s12+s13], $0x40, $0x38;
	[tilespmem:$0x18080] =	vst v63  }
.LBB2_13:
0x49: {  	s2 =	simm.s32 $0x3  }
0x4a: {  	_ =	swait.ge [sflag:s2], $0xC000  }
0x4b: {  	[sflag:s2] =	ssyncset.done $0x0  }
0x4c: {  	[sflag:s2] =	ssyncadd.s32 $0xFFFF4000  }
0x4d: {  	_ =	sfence.sel $0x180000  }
0x4e: {  	s3 =	simm.s32 $0x2;
	[bflag:$0x0] =	sbarrier.arrive $0xFFFF  }
0x4f: {  	[sflag:s3] =	ssyncpa.u1 $0x1  }
0x50: {  	s31 =	simm.s32 $0x1;
	[sflag:s2] =	ssyncpa.u1 $0x1  }
0x51: {  	[sflag:s31] =	ssyncpa.u1 $0x1  }
0x52: {  	p0 =	sne.s32 s1, $0x0;
	_ =	strace $0x90000047  }
0x53: {  	s0 =	sadd.s32 @!p0 $0x100000, s0;
	[bflag:$0x2] =	sbarrier.arrive $0xFFFF  }
0x54: {  	[sflag:s0] =	ssyncadd.tile.s32 @!p0 $0x1;
	_ =	shalt  }
.Lfunc_end2:
_tile_overlayer_lowered:
.L_overlay_start_2:
0x55: {  	(tag) =	ssettag $0x2  }
0x56: {  	s0 =	rddreg [dreg:$0x0];
	s2 =	stileid.u32  }
0x57: {  	s1 =	rddreg [dreg:$0x1];
	p0 =	sne.s32 s2, $0x0  }
0x58: {  	s3 =	rddreg [dreg:$0x2];
	[bflag:$0x3] =	sbarrier.arrive $0xFFFF;
	s2 =	simm.s32 @!p0 $0x1C01  }
0x59: {  	[timem:s3], [sflag:s2] =	dma.local @!p0 [hbm:s0], s1  }
0x5a: {  	s0 =	simm.s32 @!p0 $0x1  }
0x5b: {  	_ =	swait.ge @!p0 [sflag:s0], s1  }
0x5c: {  	s1 =	ssub.s32 @!p0 $0x0, s1;
	[sflag:s0] =	ssyncset.done @!p0 $0x0  }
0x5d: {  	[sflag:s0] =	ssyncadd.s32 @!p0 s1  }
0x5e: {  	[bflag:$0x3] =	sbarrier.arrive $0xFFFF  }
0x5f: {  	_ =	shalt  }

// kernel: gather_offload_async_start
scs
__scs_entry_jumppad:
0x0: {  	(pc) =	sbr.rel $0x88, $3  }
0x1: {  	(tag) =	ssettag $0x0;
	lr =	simm.s32 $0x1  }
0x2: {  	[smem:$0x3F9C] =	sst lr;
	_ =	strace $0xD0000000  }
0x3: {  	_ = 	snop  }
0x4: {  	_ = 	snop  }
0x5: {  	_ = 	snop  }
0x6: {  	_ = 	snop  }
0x7: {  	_ = 	snop  }
__scs_overlays_trampoline_lowered:
0x8: {  	[smem:$0x3FAB] =	sst s0  }
0x9: {  	[smem:$0x3FAC] =	sst s1  }
0xa: {  	[smem:$0x3FAD] =	sst s2  }
0xb: {  	[smem:$0x3FAE] =	sst s3  }
0xc: {  	[smem:$0x3FAF] =	sst s4  }
0xd: {  	[smem:$0x3FB0] =	sst s5  }
0xe: {  	[smem:$0x3FB1] =	sst s6  }
0xf: {  	[smem:$0x3FB2] =	sst s7  }
0x10: {  	[smem:$0x3FB3] =	sst s8  }
0x11: {  	[smem:$0x3FB4] =	sst s9;
	s0 =	simm.s32 @!p0 $0x0  }
0x12: {  	s1 =	sld [smem:$0x3F9A];
	s0 =	simm.s32 @p0 $0x1  }
0x13: {  	[smem:$0x3FB5] =	sst s0;
	s0 =	simm.s32 @!p1 $0x0  }
0x14: {  	s2 =	sld [smem:$0x3F99];
	s0 =	simm.s32 @p1 $0x1  }
0x15: {  	[smem:$0x3FB6] =	sst s0;
	s0 =	simm.s32 @!p2 $0x0  }
0x16: {  	s3 =	sld [smem:$0x3FDB];
	s0 =	simm.s32 @p2 $0x1  }
0x17: {  	s4 =	simm.s32 $0x1BF5;
	[smem:$0x3FB8] =	sst s0  }
0x18: {  	s0 =	sld [smem:$0x3F9B];
	_ =	swait.ge [sflag:s4], $0x0  }
0x19: {  	s7 =	sld [smem:$0x3F9C]  }
0x1a: {  	s8 =	sadd.s32 $0xFFFFE003, lr  }
0x1b: {  	s9 =	sadd.s32 $0xFFFFFEF7, lr;
	s5 =	simm.s32 $0xFFFFFFFF;
	p2 =	slt.u32 s8, $0xFFFFF086  }
0x1c: {  	p1 =	slt.u32 s9, $0xF7A;
	s5 =	simm.s32 @!p2 $0x0  }
0x1d: {  	s5 =	simm.s32 @p1 $0x1;
	p0 =	seq.s32 s7, s2  }
0x1e: {  	s7 =	smul.u32 @!p0 $0xF7A, s2;
	p2 =	seq.s32 @!p0 s5, $0x0  }
0x1f: {  	s9 =	smul.u32 $0xF7A, s1;
	s8 =	simm.s32 @!p0 $0x1BF5;
	p2 =	por !p2, p0  }
0x20: {  	[sflag:s8] =	ssyncset.s32 @!p0 $0xFFFFF086;
	s6 =	sadd.s32 @!p0 s3, s7;
	s7 =	simm.s32 @!p0 $0x108  }
0x21: {  	s3 =	sadd.s32 s3, s9;
	s6 =	sadd.s32 @!p0 $0x88, s6;
	s7 =	simm.s32 @p2 $0x1082  }
0x22: {  	[simem:s7], [sflag:s8] =	dma.local @!p0 [hbm:s6], $0xF7A  }
0x23: {  	s9 =	sor.u32 $0xD0000000, s2;
	s6 =	simm.s32 $0x108;
	_ =	swait.ge @!p0 [sflag:s8], $0x0  }
0x24: {  	s3 =	sadd.s32 $0x88, s3;
	s6 =	simm.s32 @!p1 $0x1082;
	[sflag:s4] =	ssyncset.s32 $0xFFFFF086  }
0x25: {  	[simem:s6], [sflag:s4] =	dma.local [hbm:s3], $0xF7A  }
0x26: {  	[smem:$0x3F9C] =	sst s1;
	(tag) =	ssettag s2;
	_ =	strace s9  }
0x27: {  	s1 =	sld [smem:$0x3FAC]  }
0x28: {  	s2 =	sld [smem:$0x3FAD]  }
0x29: {  	s4 =	sld [smem:$0x3FAF]  }
0x2a: {  	p0 =	seq.s32 s5, $0x0;
	s5 =	sld [smem:$0x3FB0]  }
0x2b: {  	s6 =	sld [smem:$0x3FB1]  }
0x2c: {  	s7 =	sld [smem:$0x3FB2]  }
0x2d: {  	s3 =	simm.s32 $0x108;
	s8 =	sld [smem:$0x3FB3]  }
0x2e: {  	s3 =	simm.s32 @!p0 $0x1082;
	s9 =	sld [smem:$0x3FB4]  }
0x2f: {  	lr =	sadd.s32 s0, s3;
	s0 =	sld [smem:$0x3FAB]  }
0x30: {  	s3 =	sld [smem:$0x3FAE]  }
0x31: {  	[smem:$0x3FB7] =	sst s10  }
0x32: {  	s10 =	sld [smem:$0x3FB5];
	_ =	sdelay $0x3  }
0x33: {  	p0 =	seq.s32 s10, $0x1;
	s10 =	sld [smem:$0x3FB7];
	_ =	sdelay $0x3  }
0x34: {  	[smem:$0x3FB7] =	sst s10  }
0x35: {  	s10 =	sld [smem:$0x3FB6];
	_ =	sdelay $0x3  }
0x36: {  	p1 =	seq.s32 s10, $0x1;
	s10 =	sld [smem:$0x3FB7];
	_ =	sdelay $0x3  }
0x37: {  	[smem:$0x3FB7] =	sst s10  }
0x38: {  	s10 =	sld [smem:$0x3FB8]  }
0x39: {  	_ = 	snop;
	(pc) =	sbr.ind lr, $3  }
0x3a: {  	_ = 	snop  }
0x3b: {  	_ = 	snop  }
0x3c: {  	p2 =	seq.s32 s10, $0x1;
	s10 =	sld [smem:$0x3FB7]  }
0x3d: {  	_ =	shalt  }
0x3e: {  	_ =	shalt  }
0x3f: {  	_ =	shalt  }
0x40: {  	_ =	shalt  }
0x41: {  	_ =	shalt  }
0x42: {  	_ =	shalt  }
0x43: {  	_ =	shalt  }
0x44: {  	_ =	shalt  }
0x45: {  	_ =	shalt  }
0x46: {  	_ =	shalt  }
0x47: {  	_ =	shalt  }
0x48: {  	_ =	shalt  }
0x49: {  	_ =	shalt  }
0x4a: {  	_ =	shalt  }
0x4b: {  	_ =	shalt  }
0x4c: {  	_ =	shalt  }
0x4d: {  	_ =	shalt  }
0x4e: {  	_ =	shalt  }
0x4f: {  	_ =	shalt  }
0x50: {  	_ =	shalt  }
0x51: {  	_ =	shalt  }
0x52: {  	_ =	shalt  }
0x53: {  	_ =	shalt  }
0x54: {  	_ =	shalt  }
0x55: {  	_ =	shalt  }
0x56: {  	_ =	shalt  }
0x57: {  	_ =	shalt  }
0x58: {  	_ =	shalt  }
0x59: {  	_ =	shalt  }
0x5a: {  	_ =	shalt  }
0x5b: {  	_ =	shalt  }
0x5c: {  	_ =	shalt  }
0x5d: {  	_ =	shalt  }
0x5e: {  	_ =	shalt  }
0x5f: {  	_ =	shalt  }
0x60: {  	_ =	shalt  }
0x61: {  	_ =	shalt  }
0x62: {  	_ =	shalt  }
0x63: {  	_ =	shalt  }
0x64: {  	_ =	shalt  }
0x65: {  	_ =	shalt  }
0x66: {  	_ =	shalt  }
0x67: {  	_ =	shalt  }
0x68: {  	_ =	shalt  }
0x69: {  	_ =	shalt  }
0x6a: {  	_ =	shalt  }
0x6b: {  	_ =	shalt  }
0x6c: {  	_ =	shalt  }
0x6d: {  	_ =	shalt  }
0x6e: {  	_ =	shalt  }
0x6f: {  	_ =	shalt  }
0x70: {  	_ =	shalt  }
0x71: {  	_ =	shalt  }
0x72: {  	_ =	shalt  }
0x73: {  	_ =	shalt  }
0x74: {  	_ =	shalt  }
0x75: {  	_ =	shalt  }
0x76: {  	_ =	shalt  }
0x77: {  	_ =	shalt  }
0x78: {  	_ =	shalt  }
0x79: {  	_ =	shalt  }
0x7a: {  	_ =	shalt  }
0x7b: {  	_ =	shalt  }
0x7c: {  	_ =	shalt  }
0x7d: {  	_ =	shalt  }
0x7e: {  	_ =	shalt  }
0x7f: {  	_ =	shalt  }
0x80: {  	_ =	shalt  }
0x81: {  	_ =	shalt  }
0x82: {  	_ =	shalt  }
0x83: {  	_ =	shalt  }
0x84: {  	_ =	shalt  }
0x85: {  	_ =	shalt  }
0x86: {  	_ =	shalt  }
0x87: {  	_ =	shalt  }
.Lfunc_end0:
.L_simem_size_0:
called_computation_lowered:
.L_overlay_start_0:
0x88: {  	s2 =	sld [smem:$0x3FD9]  }
0x89: {  	s3 =	sld [smem:$0x3FFE];
	_ =	sdelay $0x1  }
0x8a: {  	s1 =	srdreg.scid  }
0x8b: {  	s0 =	sand.u32 $0x1, s1  }
0x8c: {  	s17 =	sshll.u32 s0, $0xA;
	s2 =	sadd.s32 s3, s2  }
0x8d: {  	s2 =	sadd.s32 s2, s17  }
0x8e: {  	[smem:$0x3FC3] =	sst s2  }
0x8f: {  	_ = 	snop  }
0x90: {  	s18 =	sld [smem:$0x3FD0];
	(tm) =	ssettm $0x1  }
0x91: {  	s19 =	sld [smem:$0x3FFB];
	_ =	sdelay $0x3  }
0x92: {  	_ =	strace s19  }
0x93: {  	s2 =	sld [smem:$0x3FFC];
	_ =	sdelay $0x3  }
0x94: {  	_ =	strace s2  }
0x95: {  	s2 =	sld [smem:$0x3FFD];
	_ =	sdelay $0x3  }
0x96: {  	_ =	strace s2  }
0x97: {  	_ =	strace $0x8FFFFFFF  }
0x98: {  	s20 =	sld [smem:$0x3FDB];
	_ =	sdelay $0x1  }
0x99: {  	s4 =	simm.s32 $_scs_section_size  }
0x9a: {  	s5 =	simm.s32 $_size__tile_overlayer_lowered;
	s6 =	simm.s32 $_tile_overlayer_lowered  }
0x9b: {  	s7 =	simm.s32 $0x1BFF;
	s21 =	sshll.u32 s6, $0x1;
	s4 =	sadd.s32 s4, s20  }
0x9c: {  	s22 =	simm.s32 $0x0;
	s5 =	sshll.u32 s5, $0x1;
	s6 =	sadd.s32 s21, s4  }
0x9d: {  	[timem:s22], [sflag:s7] =	dma.local [hbm:s6], s5  }
0x9e: {  	_ =	swait.ge [sflag:s7], s5  }
0x9f: {  	s5 =	ssub.s32 $0x0, s5;
	[sflag:s7] =	ssyncset.done $0x0  }
0xa0: {  	[sflag:s7] =	ssyncadd.s32 s5;
	_ =	sdelay $0x1  }
0xa1: {  	s23 =	simm.s32 $0x1B8B  }
0xa2: {  	_ =	swait.ge [sflag:s23], $0x1  }
0xa3: {  	[sflag:s23] =	ssyncset.done $0x0  }
0xa4: {  	[sflag:s23] =	ssyncadd.s32 $0xFFFFFFFF  }
0xa5: {  	s5 =	sld [smem:$0x0]  }
0xa6: {  	s6 =	sand.u32 $0xFFFFFFFE, s1  }
0xa7: {  	p0 =	sne.s32 s1, s6  }
0xa8: {  	s6 =	sshll.u32 @p0 s6, $0xE  }
0xa9: {  	s6 =	sadd.s32 @p0 $0x11B8D, s6;
	s7 =	sshll.u32 @p0 s5, $0x11  }
0xaa: {  	s6 =	sor.u32 @p0 s7, s6  }
0xab: {  	[sflag:s6] =	ssyncadd.remote.s32 @p0 $0x1;
	_ =	sdelay $0x1  }
0xac: {  	s6 =	simm.s32 @p0 $0x1B8D  }
0xad: {  	_ =	swait.eq @p0 [sflag:s6], $0x1  }
0xae: {  	[sflag:s6] =	ssyncadd.s32 @p0 $0xFFFFFFFF  }
0xaf: {  	s7 =	sshll.u32 @!p0 s1, $0xE  }
0xb0: {  	s7 =	sor.u32 @!p0 $0x4000, s7;
	s6 =	simm.s32 @!p0 $0x1B8D  }
0xb1: {  	s5 =	sshll.u32 @!p0 s5, $0x11;
	s7 =	sadd.s32 @!p0 $0x11B8D, s7;
	_ =	swait.eq @!p0 [sflag:s6], $0x1  }
0xb2: {  	s5 =	sor.u32 @!p0 s5, s7;
	[sflag:s6] =	ssyncadd.s32 @!p0 $0xFFFFFFFF  }
0xb3: {  	s25 =	simm.s32 $0x1B8E;
	s24 =	sld [smem:$0x3FFE];
	[sflag:s5] =	ssyncadd.remote.s32 @!p0 $0x1  }
0xb4: {  	s26 =	simm.s32 $execute0_lowered;
	[smem:$0x3FD2] =	sst s25  }
0xb5: {  	s6 =	sshll.u32 s26, $0x1;
	_ =	strace $0x80000049;
	[dreg:$0x1] =	wrdreg $0xFFFFFFFF  }
0xb6: {  	s28 =	simm.s32 $_size_execute0_lowered;
	s4 =	sadd.s32 s4, s6;
	[dreg:$0x0] =	wrdreg $0x0  }
0xb7: {  	s6 =	sshll.u32 s28, $0x1;
	[dreg:$0x2] =	wrdreg s4  }
0xb8: {  	[dreg:$0x3] =	wrdreg s6  }
0xb9: {  	[dreg:$0x4] =	wrdreg $0xC0  }
0xba: {  	_ =	task [dreg:s22], $0x5FFFF  }
0xbb: {  	[dreg:$0x1] =	wrdreg $0xFFFFFFFF  }
0xbc: {  	[dreg:$0x0] =	wrdreg $0x60  }
0xbd: {  	[dreg:$0x2] =	wrdreg s24  }
0xbe: {  	[dreg:$0x3] =	wrdreg s18  }
0xbf: {  	[dreg:$0x4] =	wrdreg $0x9  }
0xc0: {  	_ =	task.clear_ibuf [dreg:s22], $0x5FFFF;
	_ =	strace $0x90000049  }
0xc1: {  	s29 =	simm.s32 $0x9;
	_ =	strace $0x8000004B  }
0xc2: {  	_ =	swait.ge [sflag:s29], $0x1  }
0xc3: {  	[sflag:s29] =	ssyncadd.s32 $0xFFFFFFFF  }
0xc4: {  	_ =	strace $0x9000004B  }
0xc5: {  	_ =	sfence  }
0xc6: {  	s30 =	sld [smem:$0x0];
	_ =	sdelay $0x2  }
0xc7: {  	s31 =	sshll.u32 s1, $0xD;
	s1 =	sshrl.u32 s1, $0x2  }
0xc8: {  	s4 =	sand.u32 $0x4000, s31;
	s1 =	sadd.s32 s1, s30  }
0xc9: {  	s0 =	sor.u32 s4, s0;
	s1 =	sshll.u32 s1, $0x11  }
0xca: {  	s0 =	sor.u32 s1, s0  }
0xcb: {  	s0 =	sadd.s32 $0x8F2B, s0  }
0xcc: {  	[sflag:s0] =	ssyncadd.remote.s32 $0x1  }
0xcd: {  	_ =	sfence.sel $0xFFFF  }
0xce: {  	[dreg:$0x0] =	wrdreg $0xFFFFFFFF;
	(pc) =	sbr.abs _section_cstart, $3  }
0xcf: {  	[dreg:$0x1] =	wrdreg $0xFFFFFFFF  }
0xd0: {  	_ =	task.clear_ibuf [dreg:s22], $0x2FFFF;
	_ =	strace $0x9FFFFFFF  }
0xd1: {  	(tm) =	ssettm $0x7FFFFFFF  }
tec
execute0_lowered:
.L_overlay_start_1:
0x0: {  	(tag) =	ssettag $0x1  }
0x1: {  	s7 =	rddreg [dreg:$0x0]  }
0x2: {  	s2 =	rddreg [dreg:$0x1]  }
0x3: {  	s0 =	rddreg [dreg:$0x2]  }
0x4: {  	s1 =	srdreg.scid;
	_ =	strace $0x8000004A;
	s4 =	simm.s32 $0x1  }
0x5: {  	s9 =	simm.s32 $0x3;
	s12 =	simm.s32 $0x0;
	s5 =	sshll.u32 s1, $0x4  }
.Ltmp0:
0x6: {  	s1 =	stileid.u32;
	s5 =	sand.u32 $0x10, s5;
	(pc) =	sbr.rel .LBB2_1-.Ltmp0, $4  }
0x7: {  	s10 =	simm.s32 $0x0;
	s3 =	sadd.s32 $0x128200, s7;
	s6 =	sor.u32 s1, s5  }
0x8: {  	[sflag:s4] =	ssyncpa.u1 $0x0;
	s5 =	simm.s32 $0x2;
	s6 =	sshll.u32 s6, $0x6  }
0x9: {  	s7 =	sadd.s32 $0x200, s7;
	[sflag:s5] =	ssyncpa.u1 $0x0;
	s8 =	sadd.s32 $0x40, s6  }
0xa: {  	vm0 =	vmmov $0xff;
	vm1 =	vcmask $0x3F20;
	[sflag:s9] =	ssyncpa.u1 $0x0;
	s9 =	simm.s32 $0x40;
	s11 =	smov.u32 s6  }
.LBB2_11:
0xb: {  	p0 =	seq.s32 s10, $0x2  }
.Ltmp1:
0xc: {  	_ = 	snop;
	(pc) =	sbr.rel @p0 .LBB2_13-.Ltmp1, $1  }
0xd: {  	_ =	sdelay $0x3  }
.LBB2_12:
0xe: {  	s12 =	sadd.s32 $0x40, s11  }
0xf: {  	s13 =	smov.u32 s6;
	p0 =	slt.s32 s12, s8  }
0x10: {  	s13 =	smov.u32 @p0 s12  }
0x11: {  	s10 =	sadd.s32 $0x1, s10;
	s12 =	smov.u32 s11;
	s11 =	smov.u32 s13  }
.LBB2_1:
0x12: {  	p0 =	sne.s32 s10, $0x0  }
.Ltmp2:
0x13: {  	_ = 	snop;
	(pc) =	sbr.rel @!p0 .LBB2_2-.Ltmp2, $1  }
0x14: {  	_ =	sdelay $0x3  }
0x15: {  	s13 =	sand.u32 $0x1, s10  }
0x16: {  	p0 =	seq.s32 s13, $0x0  }
.Ltmp3:
0x17: {  	_ = 	snop;
	(pc) =	sbr.rel @p0 .LBB2_11-.Ltmp3, $1  }
0x18: {  	_ =	sdelay $0x3  }
0x19: {  	_ =	swait.ge [sflag:s5], $0x40  }
0x1a: {  	[sflag:s5] =	ssyncset.done $0x0  }
0x1b: {  	s13 =	simm.s32 $0x0;
	s14 =	simm.s32 $0x80;
	[sflag:s5] =	ssyncadd.s32 $0xFFFFFFC0  }
.LBB2_5:
0x1c: {  	s15 =	sshll.u32 s13, $0x4  }
0x1d: {  	s15 =	sand.u32 $0x3FFFFFF0, s15  }
0x1e: {  	v0 =	vld.msk [tilespmem:s15+$0x40 ss:$0x1], $0xffff;
	_ =	sdelay $0x4  }
0x1f: {  	vm2 =	vgt.s32 v0, $0x0  }
0x20: {  	v0 =	vnsel vm2, $0x0, v0  }
0x21: {  	v0 =	vmin.u32 v0, $0x2FFF  }
0x22: {  	v1 =	vshrl.u32 v0, $0x3  }
0x23: {  	v0 =	vshll.u32 v0, $0x7;
	v1 =	vmul.u32 $0x1800, v1  }
0x24: {  	v0 =	vand.u32 $0x380, v0  }
0x25: {  	v0 =	vor.u32 v0, v1  }
0x26: {  	v0 =	vshrl.u32 v0, $0x3;
	_ =	sdelay $0x2  }
0x27: {  	s16 =	sadd.s32 $0xFFFFE800, s14  }
0x28: {  	s31 =	sadd.s32 $0xD800, s16;
	s16 =	sadd.s32 $0xF000, s16;
	s15 =	simm.s32 $0xFFFFB000  }
0x29: {  	v1 =	vadd.s32 $0x80, v0;
	[tilespmem:s31], [sflag:$0x1] =	stream.indirect_vreg.gather [hbm:s3], $0x80, v0, vm0, $0x38;
	[tilespmem:$0x18080] =	vst v63  }
.LBB2_6:
0x2a: {  	[tilespmem:s16], [sflag:$0x1] =	stream.indirect_vreg.gather [hbm:s3], $0x80, v0, vm1, $0x38;
	[tilespmem:$0x18080] =	vst v63  }
0x2b: {  	v0 =	vmov v1;
	p0 =	sne.s32 s15, $0xFFFFF000  }
.Ltmp4:
0x2c: {  	s16 =	sshra.s32 s15, $0x2;
	(pc) =	sbr.rel @p0 .LBB2_6-.Ltmp4, $4  }
0x2d: {  	s15 =	sadd.s32 $0x1000, s15;
	s16 =	sadd.s32 s16, s14  }
0x2e: {  	s17 =	sadd.s32 $0xD800, s16  }
0x2f: {  	[tilespmem:s17], [sflag:$0x1] =	stream.indirect_vreg.gather [hbm:s3], $0x80, v1, vm0, $0x38;
	[tilespmem:$0x18080] =	vst v63  }
0x30: {  	s16 =	sadd.s32 $0xF000, s16;
	v1 =	vadd.s32 $0x80, v1  }
0x31: {  	s13 =	sadd.s32 $0x1, s13  }
0x32: {  	p0 =	sne.s32 s13, $0x4  }
.Ltmp5:
0x33: {  	_ = 	snop;
	(pc) =	sbr.rel @p0 .LBB2_5-.Ltmp5, $3  }
0x34: {  	_ =	sdelay $0x1  }
0x35: {  	[tilespmem:s16], [sflag:$0x1] =	stream.indirect_vreg.gather [hbm:s3], $0x80, v0, vm1, $0x38;
	[tilespmem:$0x18080] =	vst v63  }
0x36: {  	s14 =	sadd.s32 $0x3000, s14  }
0x37: {  	s13 =	sshrl.u32 s12, $0x3  }
0x38: {  	s13 =	smul.u32 $0x300, s13  }
0x39: {  	_ =	swait.ge [sflag:s4], $0xC000;
	s31 =	sshll.u32 s12, $0x4  }
0x3a: {  	s14 =	simm.s32 $0x300;
	s12 =	sand.u32 $0x70, s31;
	s13 =	sadd.s32 s13, s2  }
0x3b: {  	s15 =	simm.s32 $0xD880;
	[sflag:s4] =	ssyncset.done $0x0;
	s12 =	sadd.s32 s12, s13  }
0x3c: {  	[sflag:s4] =	ssyncadd.s32 $0xFFFF4000;
	s13 =	simm.s32 $0xC080;
	s16 =	sadd.s32 $0x0, s12  }
.LBB2_9:
0x3d: {  	[hbm:s16] =	stream.linear.scatter [tilespmem:s13], [sflag:$0x3], $0x1800, $0x38;
	[tilespmem:$0x18080] =	vst v63  }
0x3e: {  	s16 =	smov.u32 s14;
	s13 =	smov.u32 s15;
	p0 =	sne.s32 s14, $0x1500  }
.Ltmp6:
0x3f: {  	s14 =	sadd.s32 $0x300, s14;
	(pc) =	sbr.rel @p0 .LBB2_9-.Ltmp6, $2  }
0x40: {  	_ =	sdelay $0x2  }
0x41: {  	s15 =	sadd.s32 $0x1800, s15;
	s16 =	sadd.s32 s16, s12  }
.Ltmp7:
0x42: {  	(pc) =	sbr.rel .LBB2_11-.Ltmp7, $2  }
0x43: {  	_ =	sdelay $0x2  }
0x44: {  	[hbm:s16] =	stream.linear.scatter [tilespmem:s13], [sflag:$0x3], $0x1800, $0x38;
	[tilespmem:$0x18080] =	vst v63  }
.LBB2_2:
.Ltmp8:
0x45: {  	(pc) =	sbr.rel .LBB2_12-.Ltmp8, $4  }
0x46: {  	_ = 	snop  }
0x47: {  	s12 =	sshrl.u32 s11, $0x3  }
0x48: {  	s13 =	sand.u32 $0x7, s11;
	s12 =	sadd.s32 s7, s12  }
0x49: {  	[tilespmem:s9], [sflag:$0x2] =	stream.linear.gather [hbm4b:s12+s13], $0x40, $0x38;
	[tilespmem:$0x18080] =	vst v63  }
.LBB2_13:
0x4a: {  	s2 =	simm.s32 $0x3  }
0x4b: {  	_ =	swait.ge [sflag:s2], $0xC000  }
0x4c: {  	[sflag:s2] =	ssyncset.done $0x0  }
0x4d: {  	[sflag:s2] =	ssyncadd.s32 $0xFFFF4000  }
0x4e: {  	_ =	sfence.sel $0x180000  }
0x4f: {  	s3 =	simm.s32 $0x2;
	[bflag:$0x0] =	sbarrier.arrive $0xFFFF  }
0x50: {  	[sflag:s3] =	ssyncpa.u1 $0x1  }
0x51: {  	s31 =	simm.s32 $0x1;
	[sflag:s2] =	ssyncpa.u1 $0x1  }
0x52: {  	[sflag:s31] =	ssyncpa.u1 $0x1  }
0x53: {  	p0 =	sne.s32 s1, $0x0;
	_ =	strace $0x9000004A  }
0x54: {  	s0 =	sadd.s32 @!p0 $0x100000, s0;
	[bflag:$0x2] =	sbarrier.arrive $0xFFFF  }
0x55: {  	[sflag:s0] =	ssyncadd.tile.s32 @!p0 $0x1;
	_ =	shalt  }
.Lfunc_end2:
_tile_overlayer_lowered:
.L_overlay_start_2:
0x56: {  	(tag) =	ssettag $0x2  }
0x57: {  	s0 =	rddreg [dreg:$0x0];
	s2 =	stileid.u32  }
0x58: {  	s1 =	rddreg [dreg:$0x1];
	p0 =	sne.s32 s2, $0x0  }
0x59: {  	s3 =	rddreg [dreg:$0x2];
	[bflag:$0x3] =	sbarrier.arrive $0xFFFF;
	s2 =	simm.s32 @!p0 $0x1C01  }
0x5a: {  	[timem:s3], [sflag:s2] =	dma.local @!p0 [hbm:s0], s1  }
0x5b: {  	s0 =	simm.s32 @!p0 $0x1  }
0x5c: {  	_ =	swait.ge @!p0 [sflag:s0], s1  }
0x5d: {  	s1 =	ssub.s32 @!p0 $0x0, s1;
	[sflag:s0] =	ssyncset.done @!p0 $0x0  }
0x5e: {  	[sflag:s0] =	ssyncadd.s32 @!p0 s1  }
0x5f: {  	[bflag:$0x3] =	sbarrier.arrive $0xFFFF  }
0x60: {  	_ =	shalt  }

</sc_bundles>
